<compile_context>
chip_gen: v7x
topology: tpu7x:2x2x1
jax: 0.10.2.dev20260603
libtpu: 0.0.44.dev20260713+nightly
codegen_flags: <defaults>
</compile_context>

<pallas_src>
import functools

import jax
import jax.numpy as jnp
from jax import lax
from jax.experimental import pallas as pl
from jax.experimental.pallas import tpu as pltpu
from jax.experimental.pallas import tpu_sc as plsc

_EPS = 1e-6
_TOKEN_BLOCK = 512
_ROT_BLOCK = 8192
_WINDOW = 2048


def _argmin_kernel(zb_ref, eb_ref, a2_ref, b2_ref, idx_ref):
    zb = zb_ref[...]
    eb = eb_ref[...]
    a2 = a2_ref[...]
    b2 = b2_ref[...]
    t = zb.shape[0]
    c = eb.shape[0]

    ab = jax.lax.dot_general(zb, eb, (((1,), (1,)), ((), ())),
                             preferred_element_type=jnp.float32)
    dist = (a2 - 2.0 * ab) + b2

    carry_v = jnp.full((t, 1), jnp.inf, jnp.float32)
    carry_i = jnp.zeros((t, 1), jnp.int32)
    iota_w = jax.lax.broadcasted_iota(jnp.int32, (t, _WINDOW), 1)
    for wi in range(c // _WINDOW):
        dw = jax.lax.slice(dist, (0, wi * _WINDOW), (t, (wi + 1) * _WINDOW))
        m = jnp.min(dw, axis=1, keepdims=True)
        mi = jnp.min(jnp.where(dw == m, iota_w, _WINDOW), axis=1,
                     keepdims=True) + wi * _WINDOW
        take = m < carry_v
        carry_v = jnp.where(take, m.astype(jnp.bfloat16).astype(jnp.float32),
                            carry_v)
        carry_i = jnp.where(take, mi, carry_i)
    idx_ref[...] = carry_i


def _make_sc_gather(n, c, d):
    info = plsc.get_sparse_core_info()
    nw = info.num_cores * info.num_subcores
    b_per_w = n // nw
    mesh = plsc.VectorSubcoreMesh(core_axis_name="c", subcore_axis_name="s")

    @functools.partial(
        pl.kernel, mesh=mesh,
        out_type=jax.ShapeDtypeStruct((n, d), jnp.float32),
        scratch_types=[
            pltpu.VMEM((b_per_w,), jnp.int32),
            pltpu.VMEM((b_per_w, d), jnp.float32),
            pltpu.SemaphoreType.DMA,
        ],
    )
    def gather(table_hbm, idx_hbm, out_hbm, idx_v, rows_v, sem):
        wid = lax.axis_index("s") * info.num_cores + lax.axis_index("c")
        base = wid * b_per_w
        pltpu.sync_copy(idx_hbm.at[pl.ds(base, b_per_w)], idx_v)
        pltpu.async_copy(table_hbm.at[idx_v], rows_v, sem).wait()
        pltpu.sync_copy(rows_v, out_hbm.at[pl.ds(base, b_per_w)])

    return gather


def _rotation_kernel(z_ref, q_ref, zq_ref, acc_ref):
    i = pl.program_id(0)
    z = z_ref[...]
    d = z.shape[1]
    q = q_ref[:, :d]

    z_norm = jnp.sqrt(jnp.sum(z * z, axis=1, keepdims=True))
    q_norm = jnp.sqrt(jnp.sum(q * q, axis=1, keepdims=True))
    z_hat = z / (z_norm + _EPS)
    q_hat = q / (q_norm + _EPS)
    v = z_hat - q_hat
    v = v / (jnp.sqrt(jnp.sum(v * v, axis=1, keepdims=True)) + _EPS)
    rz = z - 2.0 * jnp.sum(v * z, axis=1, keepdims=True) * v
    s = q_norm / (z_norm + _EPS)
    zq_ref[...] = s * rz

    diff = z - q
    part = jnp.sum(diff * diff).reshape(1, 1)

    @pl.when(i == 0)
    def _():
        acc_ref[...] = jnp.zeros((1, 1), jnp.float32)

    acc_ref[...] += part


@jax.jit
def kernel(z_e, embedding):
    b, d, h, w = z_e.shape
    c = embedding.shape[0]
    n = b * h * w
    t = _TOKEN_BLOCK
    z_flat = jnp.transpose(z_e, (0, 2, 3, 1)).reshape(n, d)
    z_bf = z_flat.astype(jnp.bfloat16)
    e_bf = embedding.astype(jnp.bfloat16)
    a2 = jnp.sum(z_flat ** 2, axis=1, keepdims=True)
    b2 = jnp.sum(embedding ** 2, axis=1).reshape(1, c)

    idx = pl.pallas_call(
        _argmin_kernel,
        grid=(n // t,),
        in_specs=[
            pl.BlockSpec((t, d), lambda i: (i, 0)),
            pl.BlockSpec((c, d), lambda i: (0, 0)),
            pl.BlockSpec((t, 1), lambda i: (i, 0)),
            pl.BlockSpec((1, c), lambda i: (0, 0)),
        ],
        out_specs=pl.BlockSpec((t, 1), lambda i: (i, 0)),
        out_shape=jax.ShapeDtypeStruct((n, 1), jnp.int32),
    )(z_bf, e_bf, a2, b2)

    emb_pad = jnp.pad(embedding, ((0, 0), (0, 128 - d)))
    q_flat = _make_sc_gather(n, c, 128)(emb_pad, idx.reshape(n))

    rt = _ROT_BLOCK
    q_tilde, acc = pl.pallas_call(
        _rotation_kernel,
        grid=(n // rt,),
        in_specs=[
            pl.BlockSpec((rt, d), lambda i: (i, 0)),
            pl.BlockSpec((rt, 128), lambda i: (i, 0)),
        ],
        out_specs=[
            pl.BlockSpec((rt, d), lambda i: (i, 0)),
            pl.BlockSpec((1, 1), lambda i: (0, 0)),
        ],
        out_shape=[
            jax.ShapeDtypeStruct((n, d), jnp.float32),
            jax.ShapeDtypeStruct((1, 1), jnp.float32),
        ],
    )(z_flat, q_flat)

    z_q = jnp.transpose(q_tilde.reshape(b, h, w, d), (0, 3, 1, 2))
    indices_out = idx.reshape(b, h, w)
    commit_loss = (0.25 / (n * d)) * acc[0, 0]
    return (z_q, indices_out, commit_loss)

# --- scband reference (transcript-rebuilt; emitter-appended) ---
"""Pipeline reference for scband-rotation-vq-25589415150076 (READ-ONLY COPY).

The authoritative reference and input builder live on the scoring server;
editing this copy changes nothing except your own understanding.
"""

import jax, jax.numpy as jnp
import numpy as np

NUM_CODES = 8192
DIM = 32
EPS = 1e-6


def setup_inputs(seed: int = 0) -> dict:
    key = jax.random.key(seed)
    k1, k2 = jax.random.split(key)
    z_e = jax.random.normal(k1, (8, DIM, 32, 32), dtype=jnp.float32)
    embedding = jax.random.normal(k2, (NUM_CODES, DIM), dtype=jnp.float32) * 0.01
    return {"z_e": z_e, "embedding": embedding}


def reference(z_e, embedding):
    b, d, h, w = z_e.shape
    # _flatten_spatial: (B, D, H, W) -> (B*H*W, D)
    z_flat = jnp.transpose(z_e, (0, 2, 3, 1)).reshape(-1, d)

    # EMACodebook.lookup: nearest-neighbour by squared L2 distance
    a2 = jnp.sum(z_flat ** 2, axis=1, keepdims=True)
    b2 = jnp.sum(embedding ** 2, axis=1)
    ab = z_flat @ embedding.T
    dist = a2 - 2.0 * ab + b2[None, :]
    indices = jnp.argmin(dist, axis=1)
    q_flat = jnp.take(embedding, indices, axis=0)

    # Rotation trick: q_tilde = sg[s * R] z_e, R = I - 2 v v^T (Householder)
    z_d = jax.lax.stop_gradient(z_flat)
    q_d = jax.lax.stop_gradient(q_flat)
    z_norm = jnp.linalg.norm(z_d, axis=1, keepdims=True)
    q_norm = jnp.linalg.norm(q_d, axis=1, keepdims=True)
    z_hat = z_d / (z_norm + EPS)
    q_hat = q_d / (q_norm + EPS)
    v = z_hat - q_hat
    v = v / (jnp.linalg.norm(v, axis=1, keepdims=True) + EPS)
    # R z = z - 2 (v . z) v, with v a stop-gradient constant per row
    rz = z_flat - 2.0 * jnp.sum(v * z_flat, axis=1, keepdims=True) * v
    s = jax.lax.stop_gradient(q_norm / (z_norm + EPS))
    q_tilde = s * rz

    # commitment loss (beta * ||z - sg[q]||^2) and codebook term (EMA handles codebook)
    beta = 0.25
    commit_loss = beta * jnp.mean((z_flat - jax.lax.stop_gradient(q_flat)) ** 2)

    # _unflatten_spatial: (N, D) -> (B, D, H, W)
    z_q = jnp.transpose(q_tilde.reshape(b, h, w, d), (0, 3, 1, 2))
    indices_out = indices.reshape(b, h, w)
    return (z_q, indices_out, commit_loss)

if __name__ == "__main__":
    import jax
    _d = setup_inputs()
    print(jax.jit(kernel)(*tuple(_d.values())))

</pallas_src>

<mosaic_0001>
#map = affine_map<(d0, d1) -> (0, 0)>
#map1 = affine_map<(d0, d1) -> (0)>
module attributes {stable_mosaic.version = 14 : i64} {
  func.func @gather(%arg0: i32, %arg1: i32, %arg2: memref<8192x128xf32, #tpu.memory_space<hbm>>, %arg3: memref<8192xi32, #tpu.memory_space<hbm>>, %arg4: memref<8192x128xf32, #tpu.memory_space<hbm>>, %arg5: memref<256xi32, #tpu.memory_space<vmem>>, %arg6: memref<256x128xf32, #tpu.memory_space<vmem>>, %arg7: memref<!tpu.dma_semaphore, #tpu.memory_space<semaphore_mem>>) attributes {dimension_semantics = [#tpu.dimension_semantics<core_parallel>, #tpu.dimension_semantics<subcore_parallel>], iteration_bounds = array<i64: 2, 16>, scalar_prefetch = 0 : i64, scratch_operands = 3 : i64, tpu.core_type = #tpu.core_type<sc_vector_subcore>, window_params = [{transform_indices = #map}, {transform_indices = #map1}, {transform_indices = #map}]} {
    %mul3A = arith.constant 2 : i32
    %mul3A_0 = arith.muli %arg1, %mul3A : i32
    %add3A = arith.addi %mul3A_0, %arg0 : i32
    %mul3A_1 = arith.constant 256 : i32
    %mul3A_2 = arith.muli %add3A, %mul3A_1 : i32
    "tpu.region"() ({
      %run_scoped3A = tpu.sem_alloc : memref<!tpu.dma_semaphore, #tpu.memory_space<semaphore_mem>>
      %dma_start3A_7 = tpu.memref_slice %arg3[%mul3A_2] : memref<8192xi32, #tpu.memory_space<hbm>> -> memref<256xi32, #tpu.memory_space<hbm>>
      %dma_start3A_8 = tpu.memref_slice %arg3[%mul3A_2] : memref<8192xi32, #tpu.memory_space<hbm>> -> memref<256xi32, #tpu.memory_space<hbm>>
      tpu.enqueue_dma source(%dma_start3A_8 : memref<256xi32, #tpu.memory_space<hbm>>) target(%arg5 : memref<256xi32, #tpu.memory_space<vmem>>) target_semaphore(%run_scoped3A : memref<!tpu.dma_semaphore, #tpu.memory_space<semaphore_mem>>)
      %dma_wait3A_9 = tpu.memref_slice %arg3[%mul3A_2] : memref<8192xi32, #tpu.memory_space<hbm>> -> memref<256xi32, #tpu.memory_space<hbm>>
      %dma_wait3A_10 = tpu.memref_slice %arg3[%mul3A_2] : memref<8192xi32, #tpu.memory_space<hbm>> -> memref<256xi32, #tpu.memory_space<hbm>>
      tpu.wait_dma2 semaphore(%run_scoped3A : memref<!tpu.dma_semaphore, #tpu.memory_space<semaphore_mem>>) src(%dma_wait3A_10 : memref<256xi32, #tpu.memory_space<hbm>>) dst(%arg5 : memref<256xi32, #tpu.memory_space<vmem>>)
      tpu.yield
    }) : () -> ()
    %dma_start3A = arith.constant 0 : i32
    %dma_start3A_3 = arith.constant 0 : i32
    %dma_start3A_4 = tpu.memref_slice %arg2[%dma_start3A, %dma_start3A_3] : memref<8192x128xf32, #tpu.memory_space<hbm>> -> memref<8192x128xf32, #tpu.memory_space<hbm>>
    tpu.enqueue_indirect_dma source(%dma_start3A_4 : memref<8192x128xf32, #tpu.memory_space<hbm>>) target(%arg6 : memref<256x128xf32, #tpu.memory_space<vmem>>) offsets(%arg5 : memref<256xi32, #tpu.memory_space<vmem>>) semaphore(%arg7 : memref<!tpu.dma_semaphore, #tpu.memory_space<semaphore_mem>>)
    %dma_wait3A = arith.constant 0 : i32
    %dma_wait3A_5 = arith.constant 0 : i32
    %dma_wait3A_6 = tpu.memref_slice %arg2[%dma_wait3A, %dma_wait3A_5] : memref<8192x128xf32, #tpu.memory_space<hbm>> -> memref<8192x128xf32, #tpu.memory_space<hbm>>
    tpu.wait_indirect_dma semaphore(%arg7 : memref<!tpu.dma_semaphore, #tpu.memory_space<semaphore_mem>>) src(%dma_wait3A_6 : memref<8192x128xf32, #tpu.memory_space<hbm>>) dst(%arg6 : memref<256x128xf32, #tpu.memory_space<vmem>>)
    "tpu.region"() ({
      %run_scoped3A = tpu.sem_alloc : memref<!tpu.dma_semaphore, #tpu.memory_space<semaphore_mem>>
      %dma_start3A_7 = arith.constant 0 : i32
      %dma_start3A_8 = tpu.memref_slice %arg4[%mul3A_2, %dma_start3A_7] : memref<8192x128xf32, #tpu.memory_space<hbm>> -> memref<256x128xf32, #tpu.memory_space<hbm>>
      %dma_start3A_9 = arith.constant 0 : i32
      %dma_start3A_10 = tpu.memref_slice %arg4[%mul3A_2, %dma_start3A_9] : memref<8192x128xf32, #tpu.memory_space<hbm>> -> memref<256x128xf32, #tpu.memory_space<hbm>>
      tpu.enqueue_dma source(%arg6 : memref<256x128xf32, #tpu.memory_space<vmem>>) target(%dma_start3A_10 : memref<256x128xf32, #tpu.memory_space<hbm>>) target_semaphore(%run_scoped3A : memref<!tpu.dma_semaphore, #tpu.memory_space<semaphore_mem>>)
      %dma_wait3A_11 = arith.constant 0 : i32
      %dma_wait3A_12 = tpu.memref_slice %arg4[%mul3A_2, %dma_wait3A_11] : memref<8192x128xf32, #tpu.memory_space<hbm>> -> memref<256x128xf32, #tpu.memory_space<hbm>>
      %dma_wait3A_13 = arith.constant 0 : i32
      %dma_wait3A_14 = tpu.memref_slice %arg4[%mul3A_2, %dma_wait3A_13] : memref<8192x128xf32, #tpu.memory_space<hbm>> -> memref<256x128xf32, #tpu.memory_space<hbm>>
      tpu.wait_dma2 semaphore(%run_scoped3A : memref<!tpu.dma_semaphore, #tpu.memory_space<semaphore_mem>>) src(%arg6 : memref<256x128xf32, #tpu.memory_space<vmem>>) dst(%dma_wait3A_14 : memref<256x128xf32, #tpu.memory_space<hbm>>)
      tpu.yield
    }) : () -> ()
    return
  }
}

module attributes {stable_mosaic.version = 14 : i64} {
  func.func @_argmin_kernel(%arg0: i32, %arg1: memref<512x32xbf16, #tpu.memory_space<vmem>>, %arg2: memref<8192x32xbf16, #tpu.memory_space<vmem>>, %arg3: memref<512x1xf32, #tpu.memory_space<vmem>>, %arg4: memref<1x8192xf32, #tpu.memory_space<vmem>>, %arg5: memref<512x1xi32, #tpu.memory_space<vmem>>) attributes {dimension_semantics = [#tpu.dimension_semantics<arbitrary>], iteration_bounds = array<i64: 16>, scalar_prefetch = 0 : i64, scratch_operands = 0 : i64, tpu.core_type = #tpu.core_type<tc>, window_params = [{transform_indices = @transform_0, window_bounds = array<i64: 512, 32>}, {pipeline_mode = #tpu.pipeline_mode<synchronous>, transform_indices = @transform_1, window_bounds = array<i64: 8192, 32>}, {transform_indices = @transform_2, window_bounds = array<i64: 512, 1>}, {pipeline_mode = #tpu.pipeline_mode<synchronous>, transform_indices = @transform_3, window_bounds = array<i64: 1, 8192>}, {transform_indices = @transform_4, window_bounds = array<i64: 512, 1>}]} {
    %get3A = arith.constant 0 : index
    %get3A_0 = arith.constant 0 : index
    %get3A_1 = vector.load %arg1[%get3A, %get3A_0] : memref<512x32xbf16, #tpu.memory_space<vmem>>, vector<512x32xbf16>
    %get3A_2 = arith.constant 0 : index
    %get3A_3 = arith.constant 0 : index
    %get3A_4 = vector.load %arg2[%get3A_2, %get3A_3] : memref<8192x32xbf16, #tpu.memory_space<vmem>>, vector<8192x32xbf16>
    %get3A_5 = arith.constant 0 : index
    %get3A_6 = arith.constant 0 : index
    %get3A_7 = vector.load %arg3[%get3A_5, %get3A_6] : memref<512x1xf32, #tpu.memory_space<vmem>>, vector<512x1xf32>
    %get3A_8 = arith.constant 0 : index
    %get3A_9 = arith.constant 0 : index
    %get3A_10 = vector.load %arg4[%get3A_8, %get3A_9] : memref<1x8192xf32, #tpu.memory_space<vmem>>, vector<1x8192xf32>
    %dot_general3A = arith.constant dense<0.000000e+00> : vector<512x8192xf32>
    %dot_general3A_11 = tpu.matmul %get3A_1, %get3A_4, %dot_general3A {dimension_numbers = #tpu.dot_dimension_numbers<[1], [1], [0], [0], [0, 0, 1, 0], [], []>, transpose_lhs_hint = false} : vector<512x32xbf16>, vector<8192x32xbf16>, vector<512x8192xf32> -> vector<512x8192xf32>
    %mul3A = arith.constant 2.000000e+00 : f32
    %mul3A_12 = vector.broadcast %mul3A : f32 to vector<512x8192xf32>
    %mul3A_13 = arith.mulf %mul3A_12, %dot_general3A_11 : vector<512x8192xf32>
    %sub3A = vector.broadcast %get3A_7 : vector<512x1xf32> to vector<512x8192xf32>
    %sub3A_14 = arith.subf %sub3A, %mul3A_13 : vector<512x8192xf32>
    %add3A = vector.broadcast %get3A_10 : vector<1x8192xf32> to vector<512x8192xf32>
    %add3A_15 = arith.addf %sub3A_14, %add3A : vector<512x8192xf32>
    %broadcast_in_dim3A = arith.constant 0x7F800000 : f32
    %broadcast_in_dim3A_16 = vector.broadcast %broadcast_in_dim3A : f32 to vector<512x1xf32>
    %broadcast_in_dim3A_17 = arith.constant 0 : i32
    %broadcast_in_dim3A_18 = vector.broadcast %broadcast_in_dim3A_17 : i32 to vector<512x1xi32>
    %iota3A = tpu.iota {dimensions = array<i32: 1>} : vector<512x2048xi32>
    %slice3A = vector.extract_strided_slice %add3A_15 {offsets = [0, 0], sizes = [512, 2048], strides = [1, 1]} : vector<512x8192xf32> to vector<512x2048xf32>
    %reduce_min3A = arith.constant dense<0x7F800000> : vector<512xf32>
    %reduce_min3A_19 = vector.multi_reduction <minimumf>, %slice3A, %reduce_min3A [1] : vector<512x2048xf32> to vector<512xf32>
    %broadcast_in_dim3A_20 = vector.shape_cast %reduce_min3A_19 : vector<512xf32> to vector<512x1xf32>
    %eq3A = vector.broadcast %broadcast_in_dim3A_20 : vector<512x1xf32> to vector<512x2048xf32>
    %eq3A_21 = arith.cmpf oeq, %slice3A, %eq3A : vector<512x2048xf32>
    %jit3A = arith.constant 2048 : i32
    %broadcast_in_dim3A_22 = vector.broadcast %jit3A : i32 to vector<512x2048xi32>
    %select_n3A = arith.select %eq3A_21, %iota3A, %broadcast_in_dim3A_22 : vector<512x2048xi1>, vector<512x2048xi32>
    %reduce_min3A_23 = arith.constant dense<2147483647> : vector<512xi32>
    %reduce_min3A_24 = vector.multi_reduction <minsi>, %select_n3A, %reduce_min3A_23 [1] : vector<512x2048xi32> to vector<512xi32>
    %broadcast_in_dim3A_25 = vector.shape_cast %reduce_min3A_24 : vector<512xi32> to vector<512x1xi32>
    %add3A_26 = arith.constant 0 : i32
    %add3A_27 = vector.broadcast %add3A_26 : i32 to vector<512x1xi32>
    %add3A_28 = arith.addi %broadcast_in_dim3A_25, %add3A_27 : vector<512x1xi32>
    %lt3A = arith.cmpf olt, %broadcast_in_dim3A_20, %broadcast_in_dim3A_16 : vector<512x1xf32>
    %convert_element_type3A = arith.truncf %broadcast_in_dim3A_20 : vector<512x1xf32> to vector<512x1xbf16>
    %convert_element_type3A_29 = arith.extf %convert_element_type3A : vector<512x1xbf16> to vector<512x1xf32>
    %select_n3A_30 = arith.select %lt3A, %convert_element_type3A_29, %broadcast_in_dim3A_16 : vector<512x1xi1>, vector<512x1xf32>
    %select_n3A_31 = arith.select %lt3A, %add3A_28, %broadcast_in_dim3A_18 : vector<512x1xi1>, vector<512x1xi32>
    %slice3A_32 = vector.extract_strided_slice %add3A_15 {offsets = [0, 2048], sizes = [512, 2048], strides = [1, 1]} : vector<512x8192xf32> to vector<512x2048xf32>
    %reduce_min3A_33 = arith.constant dense<0x7F800000> : vector<512xf32>
    %reduce_min3A_34 = vector.multi_reduction <minimumf>, %slice3A_32, %reduce_min3A_33 [1] : vector<512x2048xf32> to vector<512xf32>
    %broadcast_in_dim3A_35 = vector.shape_cast %reduce_min3A_34 : vector<512xf32> to vector<512x1xf32>
    %eq3A_36 = vector.broadcast %broadcast_in_dim3A_35 : vector<512x1xf32> to vector<512x2048xf32>
    %eq3A_37 = arith.cmpf oeq, %slice3A_32, %eq3A_36 : vector<512x2048xf32>
    %jit3A_38 = arith.constant 2048 : i32
    %broadcast_in_dim3A_39 = vector.broadcast %jit3A_38 : i32 to vector<512x2048xi32>
    %select_n3A_40 = arith.select %eq3A_37, %iota3A, %broadcast_in_dim3A_39 : vector<512x2048xi1>, vector<512x2048xi32>
    %reduce_min3A_41 = arith.constant dense<2147483647> : vector<512xi32>
    %reduce_min3A_42 = vector.multi_reduction <minsi>, %select_n3A_40, %reduce_min3A_41 [1] : vector<512x2048xi32> to vector<512xi32>
    %broadcast_in_dim3A_43 = vector.shape_cast %reduce_min3A_42 : vector<512xi32> to vector<512x1xi32>
    %add3A_44 = arith.constant 2048 : i32
    %add3A_45 = vector.broadcast %add3A_44 : i32 to vector<512x1xi32>
    %add3A_46 = arith.addi %broadcast_in_dim3A_43, %add3A_45 : vector<512x1xi32>
    %lt3A_47 = arith.cmpf olt, %broadcast_in_dim3A_35, %select_n3A_30 : vector<512x1xf32>
    %convert_element_type3A_48 = arith.truncf %broadcast_in_dim3A_35 : vector<512x1xf32> to vector<512x1xbf16>
    %convert_element_type3A_49 = arith.extf %convert_element_type3A_48 : vector<512x1xbf16> to vector<512x1xf32>
    %select_n3A_50 = arith.select %lt3A_47, %convert_element_type3A_49, %select_n3A_30 : vector<512x1xi1>, vector<512x1xf32>
    %select_n3A_51 = arith.select %lt3A_47, %add3A_46, %select_n3A_31 : vector<512x1xi1>, vector<512x1xi32>
    %slice3A_52 = vector.extract_strided_slice %add3A_15 {offsets = [0, 4096], sizes = [512, 2048], strides = [1, 1]} : vector<512x8192xf32> to vector<512x2048xf32>
    %reduce_min3A_53 = arith.constant dense<0x7F800000> : vector<512xf32>
    %reduce_min3A_54 = vector.multi_reduction <minimumf>, %slice3A_52, %reduce_min3A_53 [1] : vector<512x2048xf32> to vector<512xf32>
    %broadcast_in_dim3A_55 = vector.shape_cast %reduce_min3A_54 : vector<512xf32> to vector<512x1xf32>
    %eq3A_56 = vector.broadcast %broadcast_in_dim3A_55 : vector<512x1xf32> to vector<512x2048xf32>
    %eq3A_57 = arith.cmpf oeq, %slice3A_52, %eq3A_56 : vector<512x2048xf32>
    %jit3A_58 = arith.constant 2048 : i32
    %broadcast_in_dim3A_59 = vector.broadcast %jit3A_58 : i32 to vector<512x2048xi32>
    %select_n3A_60 = arith.select %eq3A_57, %iota3A, %broadcast_in_dim3A_59 : vector<512x2048xi1>, vector<512x2048xi32>
    %reduce_min3A_61 = arith.constant dense<2147483647> : vector<512xi32>
    %reduce_min3A_62 = vector.multi_reduction <minsi>, %select_n3A_60, %reduce_min3A_61 [1] : vector<512x2048xi32> to vector<512xi32>
    %broadcast_in_dim3A_63 = vector.shape_cast %reduce_min3A_62 : vector<512xi32> to vector<512x1xi32>
    %add3A_64 = arith.constant 4096 : i32
    %add3A_65 = vector.broadcast %add3A_64 : i32 to vector<512x1xi32>
    %add3A_66 = arith.addi %broadcast_in_dim3A_63, %add3A_65 : vector<512x1xi32>
    %lt3A_67 = arith.cmpf olt, %broadcast_in_dim3A_55, %select_n3A_50 : vector<512x1xf32>
    %convert_element_type3A_68 = arith.truncf %broadcast_in_dim3A_55 : vector<512x1xf32> to vector<512x1xbf16>
    %convert_element_type3A_69 = arith.extf %convert_element_type3A_68 : vector<512x1xbf16> to vector<512x1xf32>
    %select_n3A_70 = arith.select %lt3A_67, %convert_element_type3A_69, %select_n3A_50 : vector<512x1xi1>, vector<512x1xf32>
    %select_n3A_71 = arith.select %lt3A_67, %add3A_66, %select_n3A_51 : vector<512x1xi1>, vector<512x1xi32>
    %slice3A_72 = vector.extract_strided_slice %add3A_15 {offsets = [0, 6144], sizes = [512, 2048], strides = [1, 1]} : vector<512x8192xf32> to vector<512x2048xf32>
    %reduce_min3A_73 = arith.constant dense<0x7F800000> : vector<512xf32>
    %reduce_min3A_74 = vector.multi_reduction <minimumf>, %slice3A_72, %reduce_min3A_73 [1] : vector<512x2048xf32> to vector<512xf32>
    %broadcast_in_dim3A_75 = vector.shape_cast %reduce_min3A_74 : vector<512xf32> to vector<512x1xf32>
    %eq3A_76 = vector.broadcast %broadcast_in_dim3A_75 : vector<512x1xf32> to vector<512x2048xf32>
    %eq3A_77 = arith.cmpf oeq, %slice3A_72, %eq3A_76 : vector<512x2048xf32>
    %jit3A_78 = arith.constant 2048 : i32
    %broadcast_in_dim3A_79 = vector.broadcast %jit3A_78 : i32 to vector<512x2048xi32>
    %select_n3A_80 = arith.select %eq3A_77, %iota3A, %broadcast_in_dim3A_79 : vector<512x2048xi1>, vector<512x2048xi32>
    %reduce_min3A_81 = arith.constant dense<2147483647> : vector<512xi32>
    %reduce_min3A_82 = vector.multi_reduction <minsi>, %select_n3A_80, %reduce_min3A_81 [1] : vector<512x2048xi32> to vector<512xi32>
    %broadcast_in_dim3A_83 = vector.shape_cast %reduce_min3A_82 : vector<512xi32> to vector<512x1xi32>
    %add3A_84 = arith.constant 6144 : i32
    %add3A_85 = vector.broadcast %add3A_84 : i32 to vector<512x1xi32>
    %add3A_86 = arith.addi %broadcast_in_dim3A_83, %add3A_85 : vector<512x1xi32>
    %lt3A_87 = arith.cmpf olt, %broadcast_in_dim3A_75, %select_n3A_70 : vector<512x1xf32>
    %select_n3A_88 = arith.select %lt3A_87, %add3A_86, %select_n3A_71 : vector<512x1xi1>, vector<512x1xi32>
    %swap3A = arith.constant 0 : index
    %swap3A_89 = arith.constant 0 : index
    %swap3A_90 = vector.load %arg5[%swap3A, %swap3A_89] : memref<512x1xi32, #tpu.memory_space<vmem>>, vector<512x1xi32>
    tpu.vector_store %arg5[%swap3A, %swap3A_89], %select_n3A_88 {strides = array<i32>} : memref<512x1xi32, #tpu.memory_space<vmem>>, vector<512x1xi32>,
    return
  }
  func.func @transform_0(%arg0: i32) -> (i32, i32) {
    %c0_i32 = arith.constant 0 : i32
    %c0_i32_0 = arith.constant 0 : i32
    return %arg0, %c0_i32 : i32, i32
  }
  func.func @transform_1(%arg0: i32) -> (i32, i32) {
    %c0_i32 = arith.constant 0 : i32
    %c0_i32_0 = arith.constant 0 : i32
    %c0_i32_1 = arith.constant 0 : i32
    return %c0_i32, %c0_i32_0 : i32, i32
  }
  func.func @transform_2(%arg0: i32) -> (i32, i32) {
    %c0_i32 = arith.constant 0 : i32
    %c0_i32_0 = arith.constant 0 : i32
    return %arg0, %c0_i32 : i32, i32
  }
  func.func @transform_3(%arg0: i32) -> (i32, i32) {
    %c0_i32 = arith.constant 0 : i32
    %c0_i32_0 = arith.constant 0 : i32
    %c0_i32_1 = arith.constant 0 : i32
    return %c0_i32, %c0_i32_0 : i32, i32
  }
  func.func @transform_4(%arg0: i32) -> (i32, i32) {
    %c0_i32 = arith.constant 0 : i32
    %c0_i32_0 = arith.constant 0 : i32
    return %arg0, %c0_i32 : i32, i32
  }
}

module attributes {stable_mosaic.version = 14 : i64} {
  func.func @_rotation_kernel(%arg0: i32, %arg1: memref<8192x32xf32, #tpu.memory_space<vmem>>, %arg2: memref<8192x128xf32, #tpu.memory_space<vmem>>, %arg3: memref<8192x32xf32, #tpu.memory_space<vmem>>, %arg4: memref<1x1xf32, #tpu.memory_space<vmem>>) attributes {dimension_semantics = [#tpu.dimension_semantics<arbitrary>], iteration_bounds = array<i64: 1>, scalar_prefetch = 0 : i64, scratch_operands = 0 : i64, tpu.core_type = #tpu.core_type<tc>, window_params = [{transform_indices = @transform_0, window_bounds = array<i64: 8192, 32>}, {transform_indices = @transform_1, window_bounds = array<i64: 8192, 128>}, {transform_indices = @transform_2, window_bounds = array<i64: 8192, 32>}, {pipeline_mode = #tpu.pipeline_mode<synchronous>, transform_indices = @transform_3, window_bounds = array<i64: 1, 1>}]} {
    %get3A = arith.constant 0 : index
    %get3A_0 = arith.constant 0 : index
    %get3A_1 = vector.load %arg1[%get3A, %get3A_0] : memref<8192x32xf32, #tpu.memory_space<vmem>>, vector<8192x32xf32>
    %get3A_2 = arith.constant 0 : index
    %get3A_3 = arith.constant 0 : index
    %get3A_4 = vector.load %arg2[%get3A_2, %get3A_3] : memref<8192x128xf32, #tpu.memory_space<vmem>>, vector<8192x32xf32>
    %mul3A = arith.mulf %get3A_1, %get3A_1 : vector<8192x32xf32>
    %reduce_sum3A = arith.constant dense<0.000000e+00> : vector<8192xf32>
    %reduce_sum3A_5 = vector.multi_reduction <add>, %mul3A, %reduce_sum3A [1] : vector<8192x32xf32> to vector<8192xf32>
    %broadcast_in_dim3A = vector.shape_cast %reduce_sum3A_5 : vector<8192xf32> to vector<8192x1xf32>
    %sqrt3A = math.sqrt %broadcast_in_dim3A : vector<8192x1xf32>
    %mul3A_6 = arith.mulf %get3A_4, %get3A_4 : vector<8192x32xf32>
    %reduce_sum3A_7 = arith.constant dense<0.000000e+00> : vector<8192xf32>
    %reduce_sum3A_8 = vector.multi_reduction <add>, %mul3A_6, %reduce_sum3A_7 [1] : vector<8192x32xf32> to vector<8192xf32>
    %broadcast_in_dim3A_9 = vector.shape_cast %reduce_sum3A_8 : vector<8192xf32> to vector<8192x1xf32>
    %sqrt3A_10 = math.sqrt %broadcast_in_dim3A_9 : vector<8192x1xf32>
    %add3A = arith.constant 9.99999997E-7 : f32
    %add3A_11 = vector.broadcast %add3A : f32 to vector<8192x1xf32>
    %add3A_12 = arith.addf %sqrt3A, %add3A_11 : vector<8192x1xf32>
    %div3A = vector.broadcast %add3A_12 : vector<8192x1xf32> to vector<8192x32xf32>
    %div3A_13 = arith.divf %get3A_1, %div3A : vector<8192x32xf32>
    %add3A_14 = arith.constant 9.99999997E-7 : f32
    %add3A_15 = vector.broadcast %add3A_14 : f32 to vector<8192x1xf32>
    %add3A_16 = arith.addf %sqrt3A_10, %add3A_15 : vector<8192x1xf32>
    %div3A_17 = vector.broadcast %add3A_16 : vector<8192x1xf32> to vector<8192x32xf32>
    %div3A_18 = arith.divf %get3A_4, %div3A_17 : vector<8192x32xf32>
    %sub3A = arith.subf %div3A_13, %div3A_18 : vector<8192x32xf32>
    %mul3A_19 = arith.mulf %sub3A, %sub3A : vector<8192x32xf32>
    %reduce_sum3A_20 = arith.constant dense<0.000000e+00> : vector<8192xf32>
    %reduce_sum3A_21 = vector.multi_reduction <add>, %mul3A_19, %reduce_sum3A_20 [1] : vector<8192x32xf32> to vector<8192xf32>
    %broadcast_in_dim3A_22 = vector.shape_cast %reduce_sum3A_21 : vector<8192xf32> to vector<8192x1xf32>
    %sqrt3A_23 = math.sqrt %broadcast_in_dim3A_22 : vector<8192x1xf32>
    %add3A_24 = arith.constant 9.99999997E-7 : f32
    %add3A_25 = vector.broadcast %add3A_24 : f32 to vector<8192x1xf32>
    %add3A_26 = arith.addf %sqrt3A_23, %add3A_25 : vector<8192x1xf32>
    %div3A_27 = vector.broadcast %add3A_26 : vector<8192x1xf32> to vector<8192x32xf32>
    %div3A_28 = arith.divf %sub3A, %div3A_27 : vector<8192x32xf32>
    %mul3A_29 = arith.mulf %div3A_28, %get3A_1 : vector<8192x32xf32>
    %reduce_sum3A_30 = arith.constant dense<0.000000e+00> : vector<8192xf32>
    %reduce_sum3A_31 = vector.multi_reduction <add>, %mul3A_29, %reduce_sum3A_30 [1] : vector<8192x32xf32> to vector<8192xf32>
    %broadcast_in_dim3A_32 = vector.shape_cast %reduce_sum3A_31 : vector<8192xf32> to vector<8192x1xf32>
    %mul3A_33 = arith.constant 2.000000e+00 : f32
    %mul3A_34 = vector.broadcast %mul3A_33 : f32 to vector<8192x1xf32>
    %mul3A_35 = arith.mulf %mul3A_34, %broadcast_in_dim3A_32 : vector<8192x1xf32>
    %mul3A_36 = vector.broadcast %mul3A_35 : vector<8192x1xf32> to vector<8192x32xf32>
    %mul3A_37 = arith.mulf %mul3A_36, %div3A_28 : vector<8192x32xf32>
    %sub3A_38 = arith.subf %get3A_1, %mul3A_37 : vector<8192x32xf32>
    %add3A_39 = arith.constant 9.99999997E-7 : f32
    %add3A_40 = vector.broadcast %add3A_39 : f32 to vector<8192x1xf32>
    %add3A_41 = arith.addf %sqrt3A, %add3A_40 : vector<8192x1xf32>
    %div3A_42 = arith.divf %sqrt3A_10, %add3A_41 : vector<8192x1xf32>
    %mul3A_43 = vector.broadcast %div3A_42 : vector<8192x1xf32> to vector<8192x32xf32>
    %mul3A_44 = arith.mulf %mul3A_43, %sub3A_38 : vector<8192x32xf32>
    %swap3A = arith.constant 0 : index
    %swap3A_45 = arith.constant 0 : index
    %swap3A_46 = vector.load %arg3[%swap3A, %swap3A_45] : memref<8192x32xf32, #tpu.memory_space<vmem>>, vector<8192x32xf32>
    tpu.vector_store %arg3[%swap3A, %swap3A_45], %mul3A_44 {strides = array<i32>} : memref<8192x32xf32, #tpu.memory_space<vmem>>, vector<8192x32xf32>,
    %sub3A_47 = arith.subf %get3A_1, %get3A_4 : vector<8192x32xf32>
    %mul3A_48 = arith.mulf %sub3A_47, %sub3A_47 : vector<8192x32xf32>
    %reduce_sum3A_49 = vector.shape_cast %mul3A_48 : vector<8192x32xf32> to vector<1x8192x32xf32>
    %reduce_sum3A_50 = arith.constant dense<0.000000e+00> : vector<1xf32>
    %reduce_sum3A_51 = vector.multi_reduction <add>, %reduce_sum3A_49, %reduce_sum3A_50 [1, 2] : vector<1x8192x32xf32> to vector<1xf32>
    %reduce_sum3A_52 = vector.shape_cast %reduce_sum3A_51 : vector<1xf32> to vector<1x1x1xf32>
    %reduce_sum3A_53 = vector.extract %reduce_sum3A_52[0, 0, 0] : f32 from vector<1x1x1xf32>
    %reshape3A = vector.broadcast %reduce_sum3A_53 : f32 to vector<1x1xf32>
    %eq3A = arith.constant 0 : i32
    %eq3A_54 = arith.cmpi eq, %arg0, %eq3A : i32
    %convert_element_type3A = arith.extui %eq3A_54 : i1 to i32
    %cond3A = arith.constant 0 : i32
    %cond3A_55 = arith.cmpi ne, %convert_element_type3A, %cond3A : i32
    scf.if %cond3A_55 {
      %broadcast_in_dim3A_63 = arith.constant 0.000000e+00 : f32
      %broadcast_in_dim3A_64 = vector.broadcast %broadcast_in_dim3A_63 : f32 to vector<1x1xf32>
      %swap3A_65 = arith.constant 0 : index
      %swap3A_66 = arith.constant 0 : index
      %swap3A_67 = vector.load %arg4[%swap3A_65, %swap3A_66] : memref<1x1xf32, #tpu.memory_space<vmem>>, vector<1x1xf32>
      tpu.vector_store %arg4[%swap3A_65, %swap3A_66], %broadcast_in_dim3A_64 {strides = array<i32>} : memref<1x1xf32, #tpu.memory_space<vmem>>, vector<1x1xf32>,
    } else {
    }
    %get3A_56 = arith.constant 0 : index
    %get3A_57 = arith.constant 0 : index
    %get3A_58 = vector.load %arg4[%get3A_56, %get3A_57] : memref<1x1xf32, #tpu.memory_space<vmem>>, vector<1x1xf32>
    %add3A_59 = arith.addf %get3A_58, %reshape3A : vector<1x1xf32>
    %swap3A_60 = arith.constant 0 : index
    %swap3A_61 = arith.constant 0 : index
    %swap3A_62 = vector.load %arg4[%swap3A_60, %swap3A_61] : memref<1x1xf32, #tpu.memory_space<vmem>>, vector<1x1xf32>
    tpu.vector_store %arg4[%swap3A_60, %swap3A_61], %add3A_59 {strides = array<i32>} : memref<1x1xf32, #tpu.memory_space<vmem>>, vector<1x1xf32>,
    return
  }
  func.func @transform_0(%arg0: i32) -> (i32, i32) {
    %c0_i32 = arith.constant 0 : i32
    %c0_i32_0 = arith.constant 0 : i32
    return %arg0, %c0_i32 : i32, i32
  }
  func.func @transform_1(%arg0: i32) -> (i32, i32) {
    %c0_i32 = arith.constant 0 : i32
    %c0_i32_0 = arith.constant 0 : i32
    return %arg0, %c0_i32 : i32, i32
  }
  func.func @transform_2(%arg0: i32) -> (i32, i32) {
    %c0_i32 = arith.constant 0 : i32
    %c0_i32_0 = arith.constant 0 : i32
    return %arg0, %c0_i32 : i32, i32
  }
  func.func @transform_3(%arg0: i32) -> (i32, i32) {
    %c0_i32 = arith.constant 0 : i32
    %c0_i32_0 = arith.constant 0 : i32
    %c0_i32_1 = arith.constant 0 : i32
    return %c0_i32, %c0_i32_0 : i32, i32
  }
}

</mosaic_0001>

<sc_bundles>
// kernel: kernel.5.cloned.1.call-start
scs
__scs_entry_jumppad:
0x0: {  	(pc) =	sbr.rel $0x88, $3  }
0x1: {  	(tag) =	ssettag $0x0;
	lr =	simm.s32 $0x1  }
0x2: {  	[smem:$0x3F9F] =	sst lr;
	_ =	strace $0xD0000000  }
0x3: {  	_ = 	snop  }
0x4: {  	_ = 	snop  }
0x5: {  	_ = 	snop  }
0x6: {  	_ = 	snop  }
0x7: {  	_ = 	snop  }
__scs_overlays_trampoline_lowered:
0x8: {  	[smem:$0x3FAE] =	sst s0  }
0x9: {  	[smem:$0x3FAF] =	sst s1  }
0xa: {  	[smem:$0x3FB0] =	sst s2  }
0xb: {  	[smem:$0x3FB1] =	sst s3  }
0xc: {  	[smem:$0x3FB2] =	sst s4  }
0xd: {  	[smem:$0x3FB3] =	sst s5  }
0xe: {  	[smem:$0x3FB4] =	sst s6  }
0xf: {  	[smem:$0x3FB5] =	sst s7  }
0x10: {  	[smem:$0x3FB6] =	sst s8  }
0x11: {  	[smem:$0x3FB7] =	sst s9;
	s0 =	simm.s32 @!p0 $0x0  }
0x12: {  	s1 =	sld [smem:$0x3F9D];
	s0 =	simm.s32 @p0 $0x1  }
0x13: {  	[smem:$0x3FB8] =	sst s0;
	s0 =	simm.s32 @!p1 $0x0  }
0x14: {  	s2 =	sld [smem:$0x3F9C];
	s0 =	simm.s32 @p1 $0x1  }
0x15: {  	[smem:$0x3FB9] =	sst s0;
	s0 =	simm.s32 @!p2 $0x0  }
0x16: {  	s3 =	sld [smem:$0x3FDB];
	s0 =	simm.s32 @p2 $0x1  }
0x17: {  	s4 =	simm.s32 $0x1BF5;
	[smem:$0x3FBB] =	sst s0  }
0x18: {  	s0 =	sld [smem:$0x3F9E];
	_ =	swait.ge [sflag:s4], $0x0  }
0x19: {  	s7 =	sld [smem:$0x3F9F]  }
0x1a: {  	s8 =	sadd.s32 $0xFFFFE003, lr  }
0x1b: {  	s9 =	sadd.s32 $0xFFFFFEF7, lr;
	s5 =	simm.s32 $0xFFFFFFFF;
	p2 =	slt.u32 s8, $0xFFFFF086  }
0x1c: {  	p1 =	slt.u32 s9, $0xF7A;
	s5 =	simm.s32 @!p2 $0x0  }
0x1d: {  	s5 =	simm.s32 @p1 $0x1;
	p0 =	seq.s32 s7, s2  }
0x1e: {  	s7 =	smul.u32 @!p0 $0xF7A, s2;
	p2 =	seq.s32 @!p0 s5, $0x0  }
0x1f: {  	s9 =	smul.u32 $0xF7A, s1;
	s8 =	simm.s32 @!p0 $0x1BF5;
	p2 =	por !p2, p0  }
0x20: {  	[sflag:s8] =	ssyncset.s32 @!p0 $0xFFFFF086;
	s6 =	sadd.s32 @!p0 s3, s7;
	s7 =	simm.s32 @!p0 $0x108  }
0x21: {  	s3 =	sadd.s32 s3, s9;
	s6 =	sadd.s32 @!p0 $0x88, s6;
	s7 =	simm.s32 @p2 $0x1082  }
0x22: {  	[simem:s7], [sflag:s8] =	dma.local @!p0 [hbm:s6], $0xF7A  }
0x23: {  	s9 =	sor.u32 $0xD0000000, s2;
	s6 =	simm.s32 $0x108;
	_ =	swait.ge @!p0 [sflag:s8], $0x0  }
0x24: {  	s3 =	sadd.s32 $0x88, s3;
	s6 =	simm.s32 @!p1 $0x1082;
	[sflag:s4] =	ssyncset.s32 $0xFFFFF086  }
0x25: {  	[simem:s6], [sflag:s4] =	dma.local [hbm:s3], $0xF7A  }
0x26: {  	[smem:$0x3F9F] =	sst s1;
	(tag) =	ssettag s2;
	_ =	strace s9  }
0x27: {  	s1 =	sld [smem:$0x3FAF]  }
0x28: {  	s2 =	sld [smem:$0x3FB0]  }
0x29: {  	s4 =	sld [smem:$0x3FB2]  }
0x2a: {  	p0 =	seq.s32 s5, $0x0;
	s5 =	sld [smem:$0x3FB3]  }
0x2b: {  	s6 =	sld [smem:$0x3FB4]  }
0x2c: {  	s7 =	sld [smem:$0x3FB5]  }
0x2d: {  	s3 =	simm.s32 $0x108;
	s8 =	sld [smem:$0x3FB6]  }
0x2e: {  	s3 =	simm.s32 @!p0 $0x1082;
	s9 =	sld [smem:$0x3FB7]  }
0x2f: {  	lr =	sadd.s32 s0, s3;
	s0 =	sld [smem:$0x3FAE]  }
0x30: {  	s3 =	sld [smem:$0x3FB1]  }
0x31: {  	[smem:$0x3FBA] =	sst s10  }
0x32: {  	s10 =	sld [smem:$0x3FB8];
	_ =	sdelay $0x3  }
0x33: {  	p0 =	seq.s32 s10, $0x1;
	s10 =	sld [smem:$0x3FBA];
	_ =	sdelay $0x3  }
0x34: {  	[smem:$0x3FBA] =	sst s10  }
0x35: {  	s10 =	sld [smem:$0x3FB9];
	_ =	sdelay $0x3  }
0x36: {  	p1 =	seq.s32 s10, $0x1;
	s10 =	sld [smem:$0x3FBA];
	_ =	sdelay $0x3  }
0x37: {  	[smem:$0x3FBA] =	sst s10  }
0x38: {  	s10 =	sld [smem:$0x3FBB]  }
0x39: {  	_ = 	snop;
	(pc) =	sbr.ind lr, $3  }
0x3a: {  	_ = 	snop  }
0x3b: {  	_ = 	snop  }
0x3c: {  	p2 =	seq.s32 s10, $0x1;
	s10 =	sld [smem:$0x3FBA]  }
0x3d: {  	_ =	shalt  }
0x3e: {  	_ =	shalt  }
0x3f: {  	_ =	shalt  }
0x40: {  	_ =	shalt  }
0x41: {  	_ =	shalt  }
0x42: {  	_ =	shalt  }
0x43: {  	_ =	shalt  }
0x44: {  	_ =	shalt  }
0x45: {  	_ =	shalt  }
0x46: {  	_ =	shalt  }
0x47: {  	_ =	shalt  }
0x48: {  	_ =	shalt  }
0x49: {  	_ =	shalt  }
0x4a: {  	_ =	shalt  }
0x4b: {  	_ =	shalt  }
0x4c: {  	_ =	shalt  }
0x4d: {  	_ =	shalt  }
0x4e: {  	_ =	shalt  }
0x4f: {  	_ =	shalt  }
0x50: {  	_ =	shalt  }
0x51: {  	_ =	shalt  }
0x52: {  	_ =	shalt  }
0x53: {  	_ =	shalt  }
0x54: {  	_ =	shalt  }
0x55: {  	_ =	shalt  }
0x56: {  	_ =	shalt  }
0x57: {  	_ =	shalt  }
0x58: {  	_ =	shalt  }
0x59: {  	_ =	shalt  }
0x5a: {  	_ =	shalt  }
0x5b: {  	_ =	shalt  }
0x5c: {  	_ =	shalt  }
0x5d: {  	_ =	shalt  }
0x5e: {  	_ =	shalt  }
0x5f: {  	_ =	shalt  }
0x60: {  	_ =	shalt  }
0x61: {  	_ =	shalt  }
0x62: {  	_ =	shalt  }
0x63: {  	_ =	shalt  }
0x64: {  	_ =	shalt  }
0x65: {  	_ =	shalt  }
0x66: {  	_ =	shalt  }
0x67: {  	_ =	shalt  }
0x68: {  	_ =	shalt  }
0x69: {  	_ =	shalt  }
0x6a: {  	_ =	shalt  }
0x6b: {  	_ =	shalt  }
0x6c: {  	_ =	shalt  }
0x6d: {  	_ =	shalt  }
0x6e: {  	_ =	shalt  }
0x6f: {  	_ =	shalt  }
0x70: {  	_ =	shalt  }
0x71: {  	_ =	shalt  }
0x72: {  	_ =	shalt  }
0x73: {  	_ =	shalt  }
0x74: {  	_ =	shalt  }
0x75: {  	_ =	shalt  }
0x76: {  	_ =	shalt  }
0x77: {  	_ =	shalt  }
0x78: {  	_ =	shalt  }
0x79: {  	_ =	shalt  }
0x7a: {  	_ =	shalt  }
0x7b: {  	_ =	shalt  }
0x7c: {  	_ =	shalt  }
0x7d: {  	_ =	shalt  }
0x7e: {  	_ =	shalt  }
0x7f: {  	_ =	shalt  }
0x80: {  	_ =	shalt  }
0x81: {  	_ =	shalt  }
0x82: {  	_ =	shalt  }
0x83: {  	_ =	shalt  }
0x84: {  	_ =	shalt  }
0x85: {  	_ =	shalt  }
0x86: {  	_ =	shalt  }
0x87: {  	_ =	shalt  }
.Lfunc_end0:
.L_simem_size_0:
called_computation_lowered:
.L_overlay_start_0:
0x88: {  	s2 =	sld [smem:$0x3FD9]  }
0x89: {  	s3 =	sld [smem:$0x3FFE];
	_ =	sdelay $0x1  }
0x8a: {  	s1 =	srdreg.scid  }
0x8b: {  	s0 =	sand.u32 $0x1, s1  }
0x8c: {  	s14 =	sshll.u32 s0, $0xA;
	s2 =	sadd.s32 s3, s2  }
0x8d: {  	s2 =	sadd.s32 s2, s14  }
0x8e: {  	[smem:$0x3FC6] =	sst s2  }
0x8f: {  	_ = 	snop  }
0x90: {  	s2 =	sld [smem:$0x3FD0];
	_ =	sdelay $0x2  }
0x91: {  	s15 =	simm.s32 $0xA;
	s4 =	simm.s32 $0x10  }
0x92: {  	[smem:s4], [sflag:s15] =	dma.local [hbm:s2], $0x1  }
0x93: {  	_ =	swait.eq [sflag:s15], $0x1  }
0x94: {  	[sflag:s15] =	ssyncset.done $0x0  }
0x95: {  	[sflag:s15] =	ssyncadd.s32 $0xFFFFFFFF  }
0x96: {  	s16 =	sld [smem:$0x10];
	(tm) =	ssettm $0x1  }
0x97: {  	s17 =	sld [smem:$0x3FFB];
	_ =	sdelay $0x3  }
0x98: {  	_ =	strace s17  }
0x99: {  	s3 =	sld [smem:$0x3FFC];
	_ =	sdelay $0x3  }
0x9a: {  	_ =	strace s3  }
0x9b: {  	s3 =	sld [smem:$0x3FFD];
	_ =	sdelay $0x3  }
0x9c: {  	_ =	strace s3  }
0x9d: {  	_ =	strace $0x8FFFFFFF  }
0x9e: {  	s18 =	sld [smem:$0x3FDB];
	_ =	sdelay $0x1  }
0x9f: {  	s19 =	simm.s32 $_scs_section_size  }
0xa0: {  	s5 =	simm.s32 $_size__tile_overlayer_lowered;
	s6 =	simm.s32 $_tile_overlayer_lowered  }
0xa1: {  	s22 =	simm.s32 $0x1BFF;
	s21 =	sshll.u32 s6, $0x1;
	s3 =	sadd.s32 s19, s18  }
0xa2: {  	s7 =	simm.s32 $0x0;
	s20 =	sshll.u32 s5, $0x1;
	s5 =	sadd.s32 s21, s3  }
0xa3: {  	[timem:s7], [sflag:s22] =	dma.local [hbm:s5], s20  }
0xa4: {  	_ =	swait.ge [sflag:s22], s20  }
0xa5: {  	s4 =	ssub.s32 $0x0, s20;
	[sflag:s22] =	ssyncset.done $0x0  }
0xa6: {  	[sflag:s22] =	ssyncadd.s32 s4;
	_ =	sdelay $0x1  }
0xa7: {  	s23 =	simm.s32 $0x1B8B  }
0xa8: {  	_ =	swait.ge [sflag:s23], $0x1  }
0xa9: {  	[sflag:s23] =	ssyncset.done $0x0  }
0xaa: {  	s25 =	simm.s32 $0x1B8E;
	s24 =	sld [smem:$0x3FFE];
	[sflag:s23] =	ssyncadd.s32 $0xFFFFFFFF  }
0xab: {  	s26 =	simm.s32 $execute0_lowered;
	[smem:$0x3FD2] =	sst s25  }
0xac: {  	s5 =	sshll.u32 s26, $0x1;
	_ =	strace $0x80000046;
	[dreg:$0x1] =	wrdreg $0xFFFFFFFF  }
0xad: {  	s28 =	simm.s32 $_size_execute0_lowered;
	s3 =	sadd.s32 s3, s5;
	[dreg:$0x0] =	wrdreg $0x0  }
0xae: {  	s5 =	sshll.u32 s28, $0x1;
	[dreg:$0x2] =	wrdreg s3  }
0xaf: {  	[dreg:$0x3] =	wrdreg s5  }
0xb0: {  	[dreg:$0x4] =	wrdreg $0xC0  }
0xb1: {  	_ =	task [dreg:s7], $0x5FFFF  }
0xb2: {  	[dreg:$0x1] =	wrdreg $0xFFFFFFFF  }
0xb3: {  	[dreg:$0x0] =	wrdreg $0x60  }
0xb4: {  	[dreg:$0x2] =	wrdreg s16  }
0xb5: {  	[dreg:$0x3] =	wrdreg s24  }
0xb6: {  	[dreg:$0x4] =	wrdreg $0x9  }
0xb7: {  	_ =	task.clear_ibuf [dreg:s7], $0x5FFFF;
	_ =	strace $0x90000046  }
0xb8: {  	s29 =	simm.s32 $0x9;
	_ =	strace $0x80000048  }
0xb9: {  	_ =	swait.ge [sflag:s29], $0x1  }
0xba: {  	[sflag:s29] =	ssyncadd.s32 $0xFFFFFFFF  }
0xbb: {  	_ =	strace $0x90000048  }
0xbc: {  	_ =	sfence  }
0xbd: {  	s30 =	sld [smem:$0x0];
	_ =	sdelay $0x2  }
0xbe: {  	s31 =	sshll.u32 s1, $0xD;
	s1 =	sshrl.u32 s1, $0x2  }
0xbf: {  	s3 =	sand.u32 $0x4000, s31;
	s1 =	sadd.s32 s1, s30  }
0xc0: {  	s0 =	sor.u32 s3, s0;
	s1 =	sshll.u32 s1, $0x11  }
0xc1: {  	s0 =	sor.u32 s1, s0  }
0xc2: {  	s0 =	sadd.s32 $0x8F2B, s0  }
0xc3: {  	[sflag:s0] =	ssyncadd.remote.s32 $0x1  }
0xc4: {  	_ =	sfence.sel $0xFFFF  }
0xc5: {  	[dreg:$0x0] =	wrdreg $0xFFFFFFFF;
	(pc) =	sbr.abs _section_cstart, $3  }
0xc6: {  	[dreg:$0x1] =	wrdreg $0xFFFFFFFF  }
0xc7: {  	_ =	task.clear_ibuf [dreg:s7], $0x2FFFF;
	_ =	strace $0x9FFFFFFF  }
0xc8: {  	(tm) =	ssettm $0x7FFFFFFF  }
0xc9: {  	_ =	shalt  }
tec
execute0_lowered:
.L_overlay_start_1:
0x0: {  	(tag) =	ssettag $0x1  }
0x1: {  	s1 =	srdreg.scid;
	s2 =	rddreg [dreg:$0x0]  }
0x2: {  	s0 =	stileid.u32;
	s8 =	rddreg [dreg:$0x1];
	s6 =	sand.u32 $0x1, s1  }
0x3: {  	s3 =	simm.s32 $0x0;
	s4 =	sshll.u32 s0, $0x9;
	s5 =	sshll.u32 s6, $0x8  }
0x4: {  	s7 =	simm.s32 $0x1;
	[smem:$0x7FF] =	sst s3;
	s9 =	sor.u32 s5, s4  }
0x5: {  	s1 =	rddreg [dreg:$0x2];
	_ =	strace $0x80000047;
	s4 =	sshrl.u32 s9, $0x3  }
0x6: {  	s10 =	ssub.s32 $0x2, s6;
	s5 =	sadd.s32 s8, s4;
	s4 =	simm.s32 $0x2  }
0x7: {  	[tilespmem:s3], [sflag:$0x2] =	stream.linear.gather [hbm4b:s5+s3], $0x100, $0x38;
	[tilespmem:$0x8100] =	vst v63  }
0x8: {  	s6 =	simm.s32 $0x100;
	s11 =	sshrl.u32 s10, $0x1;
	_ =	swait.ge [sflag:s4], $0x100  }
0x9: {  	s9 =	sshll.u32 s9, $0x4;
	s31 =	ssub.s32 s10, s11;
	[sflag:s4] =	ssyncset.done $0x0  }
0xa: {  	s8 =	sadd.s32 s9, s8;
	s9 =	smax.u32 s31, $0x1;
	[sflag:s4] =	ssyncadd.s32 $0xFFFFFF00  }
0xb: {  	[tilespmem:s6], [sflag:$0x1] =	stream.indirect.gather [hbm4b:s2+s6], $0x80, s3, s6, $0xb8;
	[tilespmem:$0x8100] =	vst v63  }
0xc: {  	p0 =	sne.s32 s9, $0x1;
	_ =	swait.ge [sflag:s7], $0x8000  }
.Ltmp0:
0xd: {  	[sflag:s7] =	ssyncset.done $0x0;
	(pc) =	sbr.rel @!p0 .LBB2_2-.Ltmp0, $4  }
0xe: {  	s8 =	sadd.s32 $0x400, s8;
	[sflag:s7] =	ssyncadd.s32 $0xFFFF8000  }
0xf: {  	[hbm4b:s8+s3] =	stream.linear.scatter [tilespmem:s6], [sflag:$0x2], $0x8000, $0x38;
	[tilespmem:$0x8100] =	vst v63  }
0x10: {  	_ =	swait.ge [sflag:s4], $0x8000  }
0x11: {  	s9 =	sadd.s32 $0xFFFFFFFF, s9;
	[sflag:s4] =	ssyncset.done $0x0  }
.LBB2_1:
0x12: {  	p0 =	sne.s32 s9, $0x1;
	s9 =	sadd.s32 $0xFFFFFFFF, s9;
	[sflag:s4] =	ssyncadd.s32 $0xFFFF8000  }
0x13: {  	[tilespmem:s3], [sflag:$0x2] =	stream.linear.gather [hbm4b:s5+s3], $0x100, $0x38;
	[tilespmem:$0x8100] =	vst v63  }
0x14: {  	_ =	swait.ge [sflag:s4], $0x100  }
0x15: {  	[sflag:s4] =	ssyncset.done $0x0  }
0x16: {  	[sflag:s4] =	ssyncadd.s32 $0xFFFFFF00  }
0x17: {  	[tilespmem:s6], [sflag:$0x1] =	stream.indirect.gather [hbm4b:s2+s6], $0x80, s3, s6, $0xb8;
	[tilespmem:$0x8100] =	vst v63  }
0x18: {  	_ =	swait.ge [sflag:s7], $0x8000  }
.Ltmp1:
0x19: {  	[sflag:s7] =	ssyncset.done $0x0;
	(pc) =	sbr.rel @p0 .LBB2_1-.Ltmp1, $4  }
0x1a: {  	[sflag:s7] =	ssyncadd.s32 $0xFFFF8000  }
0x1b: {  	[hbm4b:s8+s3] =	stream.linear.scatter [tilespmem:s6], [sflag:$0x2], $0x8000, $0x38;
	[tilespmem:$0x8100] =	vst v63  }
0x1c: {  	_ =	swait.ge [sflag:s4], $0x8000  }
0x1d: {  	[sflag:s4] =	ssyncset.done $0x0  }
.LBB2_2:
0x1e: {  	[sflag:s4] =	ssyncadd.s32 $0xFFFF8000  }
0x1f: {  	_ =	sfence.sel $0x180000  }
0x20: {  	[bflag:$0x0] =	sbarrier.arrive $0xFFFF  }
0x21: {  	p0 =	sne.s32 s0, $0x0;
	_ =	strace $0x90000047  }
0x22: {  	s0 =	sadd.s32 @!p0 $0x100000, s1;
	[bflag:$0x2] =	sbarrier.arrive $0xFFFF  }
0x23: {  	[sflag:s0] =	ssyncadd.tile.s32 @!p0 $0x1;
	_ =	shalt  }
.Lfunc_end2:
_tile_overlayer_lowered:
.L_overlay_start_2:
0x24: {  	(tag) =	ssettag $0x2  }
0x25: {  	s0 =	rddreg [dreg:$0x0];
	s2 =	stileid.u32  }
0x26: {  	s1 =	rddreg [dreg:$0x1];
	p0 =	sne.s32 s2, $0x0  }
0x27: {  	s3 =	rddreg [dreg:$0x2];
	[bflag:$0x3] =	sbarrier.arrive $0xFFFF;
	s2 =	simm.s32 @!p0 $0x1C02  }
0x28: {  	[timem:s3], [sflag:s2] =	dma.local @!p0 [hbm:s0], s1  }
0x29: {  	s0 =	simm.s32 @!p0 $0x2  }
0x2a: {  	_ =	swait.ge @!p0 [sflag:s0], s1  }
0x2b: {  	s1 =	ssub.s32 @!p0 $0x0, s1;
	[sflag:s0] =	ssyncset.done @!p0 $0x0  }
0x2c: {  	[sflag:s0] =	ssyncadd.s32 @!p0 s1  }
0x2d: {  	[bflag:$0x3] =	sbarrier.arrive $0xFFFF  }
0x2e: {  	_ =	shalt  }

</sc_bundles>
